<compile_context>
chip_gen: v7x
topology: tpu7x:2x2x1
jax: 0.10.2.dev20260603
libtpu: 0.0.44.dev20260713+nightly
codegen_flags: <defaults>
</compile_context>

<pallas_src>
import functools

import jax
import jax.numpy as jnp
from jax import lax
from jax.experimental import pallas as pl
from jax.experimental.pallas import tpu as pltpu
from jax.experimental.pallas import tpu_sc as plsc

D = 512

_mesh = plsc.VectorSubcoreMesh(
    core_axis_name="c", subcore_axis_name="s", num_cores=1, num_subcores=1
)


@functools.partial(
    pl.kernel,
    mesh=_mesh,
    out_type=(
        jax.ShapeDtypeStruct((1, 3), jnp.float32),
        jax.ShapeDtypeStruct((1, 1), jnp.float32),
        jax.ShapeDtypeStruct((1, 2), jnp.int32),
    ),
    scratch_types=[
        pltpu.VMEM((4,), jnp.int32),
        pltpu.VMEM((16,), jnp.int32),
        pltpu.VMEM((16,), jnp.float32),
        pltpu.VMEM((16,), jnp.float32),
        pltpu.VMEM((16,), jnp.int32),
        pltpu.SemaphoreType.DMA,
        pltpu.SemaphoreType.DMA,
        [pltpu.SemaphoreType.DMA] * 3,
    ],
    compiler_params=pltpu.CompilerParams(needs_layout_passes=False),
)
def _graphgen_sc(ev_hbm, mat_ref, nodes_hbm, feat_hbm, edges_hbm,
                 ev_v, chunk_v, aux_v, feat_v, zed_v,
                 sem_ev, sem_chunk, sems_out):
    pltpu.async_copy(ev_hbm, ev_v, sem_ev).wait()
    lane = lax.iota(jnp.int32, 16)
    zero = jnp.zeros((16,), jnp.int32)
    x_vec = plsc.load_gather(ev_v, [zero])
    y_vec = plsc.load_gather(ev_v, [zero + 1])
    x_s = jnp.sum(jnp.where(lane == 0, x_vec, zero), dtype=jnp.int32)
    y_s = jnp.sum(jnp.where(lane == 1, y_vec, zero), dtype=jnp.int32)
    c0 = (y_s // 16) * 16
    pltpu.async_copy(mat_ref.at[x_s, pl.ds(c0, 16)], chunk_v, sem_chunk).wait()
    chunk_v[...] = jnp.where(lane == y_s - c0, zero, chunk_v[...])
    pltpu.sync_copy(chunk_v, mat_ref.at[x_s, pl.ds(c0, 16)])

    aux_v[...] = plsc.load_gather(ev_v, [lane & 3]).astype(jnp.float32)
    feat_v[...] = plsc.load_gather(ev_v, [zero + 3]).astype(jnp.float32)
    zed_v[...] = zero
    i0 = jnp.int32(0)
    cps = [
        pltpu.async_copy(aux_v.at[pl.ds(0, 3)], nodes_hbm.at[i0], sems_out[0]),
        pltpu.async_copy(feat_v.at[pl.ds(0, 1)], feat_hbm.at[i0], sems_out[1]),
        pltpu.async_copy(zed_v.at[pl.ds(0, 2)], edges_hbm.at[i0], sems_out[2]),
    ]
    for cp in cps:
        cp.wait()


def _tc_copy_body(mat_ref, out_ref):
    out_ref[...] = mat_ref[...]


_tc_copy = pl.pallas_call(
    _tc_copy_body,
    in_specs=[pl.BlockSpec(memory_space=pltpu.VMEM)],
    out_specs=pl.BlockSpec(memory_space=pltpu.VMEM),
    out_shape=jax.ShapeDtypeStruct((D, D), jnp.int32),
)


def kernel(event, neighbour_matrix):
    ev = event.astype(jnp.int32)
    mat = _tc_copy(neighbour_matrix)
    mat_ref = jax.new_ref(mat)
    nodes, features, edges = _graphgen_sc(ev, mat_ref)
    new_matrix = mat_ref[...]
    return nodes, features, edges, new_matrix

# --- scband reference (transcript-rebuilt; emitter-appended) ---
"""Pipeline reference for scband-graph-gen-6906307412346 (READ-ONLY COPY).

The authoritative reference and input builder live on the scoring server;
editing this copy changes nothing except your own understanding.
"""

import jax, jax.numpy as jnp
import numpy as np
jax.config.update("jax_enable_x64", True)

R = 8
D = 512
SELF_LOOP = True

def setup_inputs(seed: int = 0):
    key = jax.random.key(seed)
    event = jax.random.randint(key, (4,), 0, D, dtype=jnp.int64)
    # module state buffers materialized explicitly (fresh state at first forward call)
    neighbour_matrix = jnp.zeros((D, D), dtype=jnp.int32)
    return {"event": event, "neighbour_matrix": neighbour_matrix}

def reference(event, neighbour_matrix):
    # Faithful translation of one forward() step of GraphGen starting from fresh state
    # (index == -1, empty pos/features/edges, zero neighbour_matrix).
    x, y, t = event[0], event[1], event[2]
    feature = event[3]
    # _check_duplicate: matrix[x,y] != 0 and pos[matrix[x,y]][2] == t -> duplicate.
    # With fresh state matrix is all zeros, so the event is never a duplicate.
    is_new = jnp.logical_not(neighbour_matrix[x, y] != 0)
    index = 0  # self.index incremented from -1 to 0
    edges = []
    if SELF_LOOP:
        edges.append((index, index))
    # precomputed_ctx_ranges[i] = arange(max(0, i-r), min(D, i+r+1))
    offsets = jnp.arange(-R, R + 1)
    x_range = x + offsets
    y_range = y + offsets
    x_ctx, y_ctx = jnp.meshgrid(x_range, y_range, indexing='ij')
    x_ctx = x_ctx.flatten()
    y_ctx = y_ctx.flatten()
    valid = (x_ctx >= 0) & (x_ctx < D) & (y_ctx >= 0) & (y_ctx < D)
    # memory-bound gather over the (2r+1)^2 neighbourhood
    context = jnp.where(
        valid,
        neighbour_matrix[jnp.clip(x_ctx, 0, D - 1), jnp.clip(y_ctx, 0, D - 1)],
        0,
    )
    idx_mask = valid & (context != 0)
    # For each nonzero context index, original code checks squared spatio-temporal
    # distance against r^2 using stored pos; with fresh state there are no stored
    # nodes, so no context edges are produced (idx_mask selects nothing and the
    # per-index body was a no-op: pos lookup + distance filter would happen here).
    # scatter-overwrite: neighbour_matrix[x, y] = index
    new_matrix = neighbour_matrix.at[x, y].set(index)
    nodes = jnp.stack([x, y, t]).astype(jnp.float32).reshape(1, 3)
    features = feature.astype(jnp.float32).reshape(1, 1)
    edges_t = jnp.array(edges, dtype=jnp.int32)
    return nodes, features, edges_t, new_matrix

if __name__ == "__main__":
    import jax
    _d = setup_inputs()
    print(jax.jit(kernel)(*tuple(_d.values())))

</pallas_src>

<mosaic_0001>
#map = affine_map<(d0, d1) -> (0)>
#map1 = affine_map<(d0, d1) -> (0, 0)>
module attributes {stable_mosaic.version = 14 : i64} {
  func.func @new_body(%arg0: i32, %arg1: i32, %arg2: memref<4xi32, #tpu.memory_space<hbm>>, %arg3: memref<512x512xi32, #tpu.memory_space<hbm>>, %arg4: memref<1x3xf32, #tpu.memory_space<hbm>>, %arg5: memref<1x1xf32, #tpu.memory_space<hbm>>, %arg6: memref<1x2xi32, #tpu.memory_space<hbm>>, %arg7: memref<512x512xi32, #tpu.memory_space<hbm>>, %arg8: memref<4xi32, #tpu.memory_space<vmem>>, %arg9: memref<16xi32, #tpu.memory_space<vmem>>, %arg10: memref<16xf32, #tpu.memory_space<vmem>>, %arg11: memref<16xf32, #tpu.memory_space<vmem>>, %arg12: memref<16xi32, #tpu.memory_space<vmem>>, %arg13: memref<!tpu.dma_semaphore, #tpu.memory_space<semaphore_mem>>, %arg14: memref<!tpu.dma_semaphore, #tpu.memory_space<semaphore_mem>>, %arg15: memref<!tpu.dma_semaphore, #tpu.memory_space<semaphore_mem>>, %arg16: memref<!tpu.dma_semaphore, #tpu.memory_space<semaphore_mem>>, %arg17: memref<!tpu.dma_semaphore, #tpu.memory_space<semaphore_mem>>) attributes {dimension_semantics = [#tpu.dimension_semantics<core_parallel>, #tpu.dimension_semantics<subcore_parallel>], iteration_bounds = array<i64: 1, 1>, scalar_prefetch = 0 : i64, scratch_operands = 10 : i64, tpu.core_type = #tpu.core_type<sc_vector_subcore>, window_params = [{transform_indices = #map}, {transform_indices = #map1}, {transform_indices = #map1}, {transform_indices = #map1}, {transform_indices = #map1}, {transform_indices = #map1}]} {
    tpu.enqueue_dma source(%arg2 : memref<4xi32, #tpu.memory_space<hbm>>) target(%arg8 : memref<4xi32, #tpu.memory_space<vmem>>) target_semaphore(%arg13 : memref<!tpu.dma_semaphore, #tpu.memory_space<semaphore_mem>>)
    tpu.wait_dma2 semaphore(%arg13 : memref<!tpu.dma_semaphore, #tpu.memory_space<semaphore_mem>>) src(%arg2 : memref<4xi32, #tpu.memory_space<hbm>>) dst(%arg8 : memref<4xi32, #tpu.memory_space<vmem>>)
    %iota3A = tpu.iota {dimensions = array<i32: 0>} : vector<16xi32>
    %broadcast_in_dim3A = arith.constant 0 : i32
    %broadcast_in_dim3A_0 = vector.broadcast %broadcast_in_dim3A : i32 to vector<16xi32>
    %gather3A = tpu.vector_load_idx %arg8[%broadcast_in_dim3A_0] : memref<4xi32, #tpu.memory_space<vmem>>[vector<16xi32>], vector<16xi32>,
    %add3A = arith.constant 1 : i32
    %add3A_1 = vector.broadcast %add3A : i32 to vector<16xi32>
    %add3A_2 = arith.addi %broadcast_in_dim3A_0, %add3A_1 : vector<16xi32>
    %gather3A_3 = tpu.vector_load_idx %arg8[%add3A_2] : memref<4xi32, #tpu.memory_space<vmem>>[vector<16xi32>], vector<16xi32>,
    %eq3A = arith.constant 0 : i32
    %eq3A_4 = vector.broadcast %eq3A : i32 to vector<16xi32>
    %eq3A_5 = arith.cmpi eq, %iota3A, %eq3A_4 : vector<16xi32>
    %select_n3A = arith.select %eq3A_5, %gather3A, %broadcast_in_dim3A_0 : vector<16xi1>, vector<16xi32>
    %reduce_sum3A = arith.constant true
    %reduce_sum3A_6 = vector.broadcast %reduce_sum3A : i1 to vector<16xi1>
    %reduce_sum3A_7 = tpu.scan <sum>, %select_n3A masked %reduce_sum3A_6 : vector<16xi32>, vector<16xi1> -> vector<16xi32>
    %reduce_sum3A_8 = vector.extract %reduce_sum3A_7[15] : i32 from vector<16xi32>
    %eq3A_9 = arith.constant 1 : i32
    %eq3A_10 = vector.broadcast %eq3A_9 : i32 to vector<16xi32>
    %eq3A_11 = arith.cmpi eq, %iota3A, %eq3A_10 : vector<16xi32>
    %select_n3A_12 = arith.select %eq3A_11, %gather3A_3, %broadcast_in_dim3A_0 : vector<16xi1>, vector<16xi32>
    %reduce_sum3A_13 = arith.constant true
    %reduce_sum3A_14 = vector.broadcast %reduce_sum3A_13 : i1 to vector<16xi1>
    %reduce_sum3A_15 = tpu.scan <sum>, %select_n3A_12 masked %reduce_sum3A_14 : vector<16xi32>, vector<16xi1> -> vector<16xi32>
    %reduce_sum3A_16 = vector.extract %reduce_sum3A_15[15] : i32 from vector<16xi32>
    %jit3A = arith.constant 16 : i64
    %convert_element_type3A = arith.trunci %jit3A : i64 to i32
    %div3A = arith.divsi %reduce_sum3A_16, %convert_element_type3A : i32
    %sign3A = arith.constant 0 : i32
    %sign3A_17 = arith.cmpi sgt, %reduce_sum3A_16, %sign3A : i32
    %sign3A_18 = arith.extui %sign3A_17 : i1 to i32
    %sign3A_19 = arith.constant 0 : i32
    %sign3A_20 = arith.cmpi slt, %reduce_sum3A_16, %sign3A_19 : i32
    %sign3A_21 = arith.extui %sign3A_20 : i1 to i32
    %sign3A_22 = arith.subi %sign3A_18, %sign3A_21 : i32
    %sign3A_23 = arith.constant 0 : i32
    %sign3A_24 = arith.cmpi sgt, %convert_element_type3A, %sign3A_23 : i32
    %sign3A_25 = arith.extui %sign3A_24 : i1 to i32
    %sign3A_26 = arith.constant 0 : i32
    %sign3A_27 = arith.cmpi slt, %convert_element_type3A, %sign3A_26 : i32
    %sign3A_28 = arith.extui %sign3A_27 : i1 to i32
    %sign3A_29 = arith.subi %sign3A_25, %sign3A_28 : i32
    %ne3A = arith.cmpi ne, %sign3A_22, %sign3A_29 : i32
    %rem3A = arith.remsi %reduce_sum3A_16, %convert_element_type3A : i32
    %ne3A_30 = arith.constant 0 : i32
    %ne3A_31 = arith.cmpi ne, %rem3A, %ne3A_30 : i32
    %and3A = arith.andi %ne3A, %ne3A_31 : i1
    %sub3A = arith.constant 1 : i32
    %sub3A_32 = arith.subi %div3A, %sub3A : i32
    %select_n3A_33 = arith.select %and3A, %sub3A_32, %div3A : i32
    %mul3A = arith.constant 16 : i32
    %mul3A_34 = arith.muli %select_n3A_33, %mul3A : i32
    %dma_start3A = tpu.memref_slice %arg3[%reduce_sum3A_8, %mul3A_34] : memref<512x512xi32, #tpu.memory_space<hbm>> -> memref<1x16xi32, #tpu.memory_space<hbm>>
    %dma_start3A_35 = tpu.memref_squeeze %dma_start3A : memref<1x16xi32, #tpu.memory_space<hbm>> -> memref<16xi32, #tpu.memory_space<hbm>>
    %dma_start3A_36 = tpu.memref_slice %arg3[%reduce_sum3A_8, %mul3A_34] : memref<512x512xi32, #tpu.memory_space<hbm>> -> memref<1x16xi32, #tpu.memory_space<hbm>>
    %dma_start3A_37 = tpu.memref_squeeze %dma_start3A_36 : memref<1x16xi32, #tpu.memory_space<hbm>> -> memref<16xi32, #tpu.memory_space<hbm>>
    tpu.enqueue_dma source(%dma_start3A_37 : memref<16xi32, #tpu.memory_space<hbm>>) target(%arg9 : memref<16xi32, #tpu.memory_space<vmem>>) target_semaphore(%arg14 : memref<!tpu.dma_semaphore, #tpu.memory_space<semaphore_mem>>)
    %dma_wait3A = tpu.memref_slice %arg3[%reduce_sum3A_8, %mul3A_34] : memref<512x512xi32, #tpu.memory_space<hbm>> -> memref<1x16xi32, #tpu.memory_space<hbm>>
    %dma_wait3A_38 = tpu.memref_squeeze %dma_wait3A : memref<1x16xi32, #tpu.memory_space<hbm>> -> memref<16xi32, #tpu.memory_space<hbm>>
    %dma_wait3A_39 = tpu.memref_slice %arg3[%reduce_sum3A_8, %mul3A_34] : memref<512x512xi32, #tpu.memory_space<hbm>> -> memref<1x16xi32, #tpu.memory_space<hbm>>
    %dma_wait3A_40 = tpu.memref_squeeze %dma_wait3A_39 : memref<1x16xi32, #tpu.memory_space<hbm>> -> memref<16xi32, #tpu.memory_space<hbm>>
    tpu.wait_dma2 semaphore(%arg14 : memref<!tpu.dma_semaphore, #tpu.memory_space<semaphore_mem>>) src(%dma_wait3A_40 : memref<16xi32, #tpu.memory_space<hbm>>) dst(%arg9 : memref<16xi32, #tpu.memory_space<vmem>>)
    %sub3A_41 = arith.subi %reduce_sum3A_16, %mul3A_34 : i32
    %eq3A_42 = vector.broadcast %sub3A_41 : i32 to vector<16xi32>
    %eq3A_43 = arith.cmpi eq, %iota3A, %eq3A_42 : vector<16xi32>
    %get3A = arith.constant 0 : index
    %get3A_44 = tpu.vector_load %arg9[%get3A] {strides = array<i32>} : memref<16xi32, #tpu.memory_space<vmem>>, vector<16xi32>,
    %select_n3A_45 = arith.select %eq3A_43, %broadcast_in_dim3A_0, %get3A_44 : vector<16xi1>, vector<16xi32>
    %swap3A = arith.constant 0 : index
    %swap3A_46 = tpu.vector_load %arg9[%swap3A] {strides = array<i32>} : memref<16xi32, #tpu.memory_space<vmem>>, vector<16xi32>,
    tpu.vector_store %arg9[%swap3A], %select_n3A_45 {strides = array<i32>} : memref<16xi32, #tpu.memory_space<vmem>>, vector<16xi32>,
    "tpu.region"() ({
      %run_scoped3A = tpu.sem_alloc : memref<!tpu.dma_semaphore, #tpu.memory_space<semaphore_mem>>
      %dma_start3A_129 = tpu.memref_slice %arg3[%reduce_sum3A_8, %mul3A_34] : memref<512x512xi32, #tpu.memory_space<hbm>> -> memref<1x16xi32, #tpu.memory_space<hbm>>
      %dma_start3A_130 = tpu.memref_squeeze %dma_start3A_129 : memref<1x16xi32, #tpu.memory_space<hbm>> -> memref<16xi32, #tpu.memory_space<hbm>>
      %dma_start3A_131 = tpu.memref_slice %arg3[%reduce_sum3A_8, %mul3A_34] : memref<512x512xi32, #tpu.memory_space<hbm>> -> memref<1x16xi32, #tpu.memory_space<hbm>>
      %dma_start3A_132 = tpu.memref_squeeze %dma_start3A_131 : memref<1x16xi32, #tpu.memory_space<hbm>> -> memref<16xi32, #tpu.memory_space<hbm>>
      tpu.enqueue_dma source(%arg9 : memref<16xi32, #tpu.memory_space<vmem>>) target(%dma_start3A_132 : memref<16xi32, #tpu.memory_space<hbm>>) target_semaphore(%run_scoped3A : memref<!tpu.dma_semaphore, #tpu.memory_space<semaphore_mem>>)
      %dma_wait3A_133 = tpu.memref_slice %arg3[%reduce_sum3A_8, %mul3A_34] : memref<512x512xi32, #tpu.memory_space<hbm>> -> memref<1x16xi32, #tpu.memory_space<hbm>>
      %dma_wait3A_134 = tpu.memref_squeeze %dma_wait3A_133 : memref<1x16xi32, #tpu.memory_space<hbm>> -> memref<16xi32, #tpu.memory_space<hbm>>
      %dma_wait3A_135 = tpu.memref_slice %arg3[%reduce_sum3A_8, %mul3A_34] : memref<512x512xi32, #tpu.memory_space<hbm>> -> memref<1x16xi32, #tpu.memory_space<hbm>>
      %dma_wait3A_136 = tpu.memref_squeeze %dma_wait3A_135 : memref<1x16xi32, #tpu.memory_space<hbm>> -> memref<16xi32, #tpu.memory_space<hbm>>
      tpu.wait_dma2 semaphore(%run_scoped3A : memref<!tpu.dma_semaphore, #tpu.memory_space<semaphore_mem>>) src(%arg9 : memref<16xi32, #tpu.memory_space<vmem>>) dst(%dma_wait3A_136 : memref<16xi32, #tpu.memory_space<hbm>>)
      tpu.yield
    }) : () -> ()
    %and3A_47 = arith.constant 3 : i32
    %and3A_48 = vector.broadcast %and3A_47 : i32 to vector<16xi32>
    %and3A_49 = arith.andi %iota3A, %and3A_48 : vector<16xi32>
    %gather3A_50 = tpu.vector_load_idx %arg8[%and3A_49] : memref<4xi32, #tpu.memory_space<vmem>>[vector<16xi32>], vector<16xi32>,
    %convert_element_type3A_51 = arith.sitofp %gather3A_50 : vector<16xi32> to vector<16xf32>
    %swap3A_52 = arith.constant 0 : index
    %swap3A_53 = tpu.vector_load %arg10[%swap3A_52] {strides = array<i32>} : memref<16xf32, #tpu.memory_space<vmem>>, vector<16xf32>,
    tpu.vector_store %arg10[%swap3A_52], %convert_element_type3A_51 {strides = array<i32>} : memref<16xf32, #tpu.memory_space<vmem>>, vector<16xf32>,
    %add3A_54 = arith.constant 3 : i32
    %add3A_55 = vector.broadcast %add3A_54 : i32 to vector<16xi32>
    %add3A_56 = arith.addi %broadcast_in_dim3A_0, %add3A_55 : vector<16xi32>
    %gather3A_57 = tpu.vector_load_idx %arg8[%add3A_56] : memref<4xi32, #tpu.memory_space<vmem>>[vector<16xi32>], vector<16xi32>,
    %convert_element_type3A_58 = arith.sitofp %gather3A_57 : vector<16xi32> to vector<16xf32>
    %swap3A_59 = arith.constant 0 : index
    %swap3A_60 = tpu.vector_load %arg11[%swap3A_59] {strides = array<i32>} : memref<16xf32, #tpu.memory_space<vmem>>, vector<16xf32>,
    tpu.vector_store %arg11[%swap3A_59], %convert_element_type3A_58 {strides = array<i32>} : memref<16xf32, #tpu.memory_space<vmem>>, vector<16xf32>,
    %swap3A_61 = arith.constant 0 : index
    %swap3A_62 = tpu.vector_load %arg12[%swap3A_61] {strides = array<i32>} : memref<16xi32, #tpu.memory_space<vmem>>, vector<16xi32>,
    tpu.vector_store %arg12[%swap3A_61], %broadcast_in_dim3A_0 {strides = array<i32>} : memref<16xi32, #tpu.memory_space<vmem>>, vector<16xi32>,
    %dma_start3A_63 = arith.constant 0 : i32
    %dma_start3A_64 = arith.constant 0 : i32
    %dma_start3A_65 = tpu.memref_slice %arg10[%dma_start3A_64] : memref<16xf32, #tpu.memory_space<vmem>> -> memref<3xf32, #tpu.memory_space<vmem>>
    %dma_start3A_66 = arith.constant 0 : i32
    %dma_start3A_67 = tpu.memref_slice %arg4[%dma_start3A_63, %dma_start3A_66] : memref<1x3xf32, #tpu.memory_space<hbm>> -> memref<1x3xf32, #tpu.memory_space<hbm>>
    %dma_start3A_68 = tpu.memref_squeeze %dma_start3A_67 : memref<1x3xf32, #tpu.memory_space<hbm>> -> memref<3xf32, #tpu.memory_space<hbm>>
    %dma_start3A_69 = arith.constant 0 : i32
    %dma_start3A_70 = tpu.memref_slice %arg4[%dma_start3A_63, %dma_start3A_69] : memref<1x3xf32, #tpu.memory_space<hbm>> -> memref<1x3xf32, #tpu.memory_space<hbm>>
    %dma_start3A_71 = tpu.memref_squeeze %dma_start3A_70 : memref<1x3xf32, #tpu.memory_space<hbm>> -> memref<3xf32, #tpu.memory_space<hbm>>
    %dma_start3A_72 = arith.constant 0 : i32
    %dma_start3A_73 = tpu.memref_slice %arg10[%dma_start3A_72] : memref<16xf32, #tpu.memory_space<vmem>> -> memref<3xf32, #tpu.memory_space<vmem>>
    tpu.enqueue_dma source(%dma_start3A_73 : memref<3xf32, #tpu.memory_space<vmem>>) target(%dma_start3A_71 : memref<3xf32, #tpu.memory_space<hbm>>) target_semaphore(%arg15 : memref<!tpu.dma_semaphore, #tpu.memory_space<semaphore_mem>>)
    %dma_start3A_74 = arith.constant 0 : i32
    %dma_start3A_75 = arith.constant 0 : i32
    %dma_start3A_76 = tpu.memref_slice %arg11[%dma_start3A_75] : memref<16xf32, #tpu.memory_space<vmem>> -> memref<1xf32, #tpu.memory_space<vmem>>
    %dma_start3A_77 = arith.constant 0 : i32
    %dma_start3A_78 = tpu.memref_slice %arg5[%dma_start3A_74, %dma_start3A_77] : memref<1x1xf32, #tpu.memory_space<hbm>> -> memref<1x1xf32, #tpu.memory_space<hbm>>
    %dma_start3A_79 = tpu.memref_squeeze %dma_start3A_78 : memref<1x1xf32, #tpu.memory_space<hbm>> -> memref<1xf32, #tpu.memory_space<hbm>>
    %dma_start3A_80 = arith.constant 0 : i32
    %dma_start3A_81 = tpu.memref_slice %arg5[%dma_start3A_74, %dma_start3A_80] : memref<1x1xf32, #tpu.memory_space<hbm>> -> memref<1x1xf32, #tpu.memory_space<hbm>>
    %dma_start3A_82 = tpu.memref_squeeze %dma_start3A_81 : memref<1x1xf32, #tpu.memory_space<hbm>> -> memref<1xf32, #tpu.memory_space<hbm>>
    %dma_start3A_83 = arith.constant 0 : i32
    %dma_start3A_84 = tpu.memref_slice %arg11[%dma_start3A_83] : memref<16xf32, #tpu.memory_space<vmem>> -> memref<1xf32, #tpu.memory_space<vmem>>
    tpu.enqueue_dma source(%dma_start3A_84 : memref<1xf32, #tpu.memory_space<vmem>>) target(%dma_start3A_82 : memref<1xf32, #tpu.memory_space<hbm>>) target_semaphore(%arg16 : memref<!tpu.dma_semaphore, #tpu.memory_space<semaphore_mem>>)
    %dma_start3A_85 = arith.constant 0 : i32
    %dma_start3A_86 = arith.constant 0 : i32
    %dma_start3A_87 = tpu.memref_slice %arg12[%dma_start3A_86] : memref<16xi32, #tpu.memory_space<vmem>> -> memref<2xi32, #tpu.memory_space<vmem>>
    %dma_start3A_88 = arith.constant 0 : i32
    %dma_start3A_89 = tpu.memref_slice %arg6[%dma_start3A_85, %dma_start3A_88] : memref<1x2xi32, #tpu.memory_space<hbm>> -> memref<1x2xi32, #tpu.memory_space<hbm>>
    %dma_start3A_90 = tpu.memref_squeeze %dma_start3A_89 : memref<1x2xi32, #tpu.memory_space<hbm>> -> memref<2xi32, #tpu.memory_space<hbm>>
    %dma_start3A_91 = arith.constant 0 : i32
    %dma_start3A_92 = tpu.memref_slice %arg6[%dma_start3A_85, %dma_start3A_91] : memref<1x2xi32, #tpu.memory_space<hbm>> -> memref<1x2xi32, #tpu.memory_space<hbm>>
    %dma_start3A_93 = tpu.memref_squeeze %dma_start3A_92 : memref<1x2xi32, #tpu.memory_space<hbm>> -> memref<2xi32, #tpu.memory_space<hbm>>
    %dma_start3A_94 = arith.constant 0 : i32
    %dma_start3A_95 = tpu.memref_slice %arg12[%dma_start3A_94] : memref<16xi32, #tpu.memory_space<vmem>> -> memref<2xi32, #tpu.memory_space<vmem>>
    tpu.enqueue_dma source(%dma_start3A_95 : memref<2xi32, #tpu.memory_space<vmem>>) target(%dma_start3A_93 : memref<2xi32, #tpu.memory_space<hbm>>) target_semaphore(%arg17 : memref<!tpu.dma_semaphore, #tpu.memory_space<semaphore_mem>>)
    %dma_wait3A_96 = arith.constant 0 : i32
    %dma_wait3A_97 = arith.constant 0 : i32
    %dma_wait3A_98 = tpu.memref_slice %arg10[%dma_wait3A_97] : memref<16xf32, #tpu.memory_space<vmem>> -> memref<3xf32, #tpu.memory_space<vmem>>
    %dma_wait3A_99 = arith.constant 0 : i32
    %dma_wait3A_100 = tpu.memref_slice %arg4[%dma_wait3A_96, %dma_wait3A_99] : memref<1x3xf32, #tpu.memory_space<hbm>> -> memref<1x3xf32, #tpu.memory_space<hbm>>
    %dma_wait3A_101 = tpu.memref_squeeze %dma_wait3A_100 : memref<1x3xf32, #tpu.memory_space<hbm>> -> memref<3xf32, #tpu.memory_space<hbm>>
    %dma_wait3A_102 = arith.constant 0 : i32
    %dma_wait3A_103 = tpu.memref_slice %arg4[%dma_wait3A_96, %dma_wait3A_102] : memref<1x3xf32, #tpu.memory_space<hbm>> -> memref<1x3xf32, #tpu.memory_space<hbm>>
    %dma_wait3A_104 = tpu.memref_squeeze %dma_wait3A_103 : memref<1x3xf32, #tpu.memory_space<hbm>> -> memref<3xf32, #tpu.memory_space<hbm>>
    %dma_wait3A_105 = arith.constant 0 : i32
    %dma_wait3A_106 = tpu.memref_slice %arg10[%dma_wait3A_105] : memref<16xf32, #tpu.memory_space<vmem>> -> memref<3xf32, #tpu.memory_space<vmem>>
    tpu.wait_dma2 semaphore(%arg15 : memref<!tpu.dma_semaphore, #tpu.memory_space<semaphore_mem>>) src(%dma_wait3A_106 : memref<3xf32, #tpu.memory_space<vmem>>) dst(%dma_wait3A_104 : memref<3xf32, #tpu.memory_space<hbm>>)
    %dma_wait3A_107 = arith.constant 0 : i32
    %dma_wait3A_108 = arith.constant 0 : i32
    %dma_wait3A_109 = tpu.memref_slice %arg11[%dma_wait3A_108] : memref<16xf32, #tpu.memory_space<vmem>> -> memref<1xf32, #tpu.memory_space<vmem>>
    %dma_wait3A_110 = arith.constant 0 : i32
    %dma_wait3A_111 = tpu.memref_slice %arg5[%dma_wait3A_107, %dma_wait3A_110] : memref<1x1xf32, #tpu.memory_space<hbm>> -> memref<1x1xf32, #tpu.memory_space<hbm>>
    %dma_wait3A_112 = tpu.memref_squeeze %dma_wait3A_111 : memref<1x1xf32, #tpu.memory_space<hbm>> -> memref<1xf32, #tpu.memory_space<hbm>>
    %dma_wait3A_113 = arith.constant 0 : i32
    %dma_wait3A_114 = tpu.memref_slice %arg5[%dma_wait3A_107, %dma_wait3A_113] : memref<1x1xf32, #tpu.memory_space<hbm>> -> memref<1x1xf32, #tpu.memory_space<hbm>>
    %dma_wait3A_115 = tpu.memref_squeeze %dma_wait3A_114 : memref<1x1xf32, #tpu.memory_space<hbm>> -> memref<1xf32, #tpu.memory_space<hbm>>
    %dma_wait3A_116 = arith.constant 0 : i32
    %dma_wait3A_117 = tpu.memref_slice %arg11[%dma_wait3A_116] : memref<16xf32, #tpu.memory_space<vmem>> -> memref<1xf32, #tpu.memory_space<vmem>>
    tpu.wait_dma2 semaphore(%arg16 : memref<!tpu.dma_semaphore, #tpu.memory_space<semaphore_mem>>) src(%dma_wait3A_117 : memref<1xf32, #tpu.memory_space<vmem>>) dst(%dma_wait3A_115 : memref<1xf32, #tpu.memory_space<hbm>>)
    %dma_wait3A_118 = arith.constant 0 : i32
    %dma_wait3A_119 = arith.constant 0 : i32
    %dma_wait3A_120 = tpu.memref_slice %arg12[%dma_wait3A_119] : memref<16xi32, #tpu.memory_space<vmem>> -> memref<2xi32, #tpu.memory_space<vmem>>
    %dma_wait3A_121 = arith.constant 0 : i32
    %dma_wait3A_122 = tpu.memref_slice %arg6[%dma_wait3A_118, %dma_wait3A_121] : memref<1x2xi32, #tpu.memory_space<hbm>> -> memref<1x2xi32, #tpu.memory_space<hbm>>
    %dma_wait3A_123 = tpu.memref_squeeze %dma_wait3A_122 : memref<1x2xi32, #tpu.memory_space<hbm>> -> memref<2xi32, #tpu.memory_space<hbm>>
    %dma_wait3A_124 = arith.constant 0 : i32
    %dma_wait3A_125 = tpu.memref_slice %arg6[%dma_wait3A_118, %dma_wait3A_124] : memref<1x2xi32, #tpu.memory_space<hbm>> -> memref<1x2xi32, #tpu.memory_space<hbm>>
    %dma_wait3A_126 = tpu.memref_squeeze %dma_wait3A_125 : memref<1x2xi32, #tpu.memory_space<hbm>> -> memref<2xi32, #tpu.memory_space<hbm>>
    %dma_wait3A_127 = arith.constant 0 : i32
    %dma_wait3A_128 = tpu.memref_slice %arg12[%dma_wait3A_127] : memref<16xi32, #tpu.memory_space<vmem>> -> memref<2xi32, #tpu.memory_space<vmem>>
    tpu.wait_dma2 semaphore(%arg17 : memref<!tpu.dma_semaphore, #tpu.memory_space<semaphore_mem>>) src(%dma_wait3A_128 : memref<2xi32, #tpu.memory_space<vmem>>) dst(%dma_wait3A_126 : memref<2xi32, #tpu.memory_space<hbm>>)
    return
  }
}

module attributes {stable_mosaic.version = 14 : i64} {
  func.func @_tc_copy_body(%arg0: memref<512x512xi32, #tpu.memory_space<vmem>>, %arg1: memref<512x512xi32, #tpu.memory_space<vmem>>) attributes {dimension_semantics = [], scalar_prefetch = 0 : i64, scratch_operands = 0 : i64, tpu.core_type = #tpu.core_type<tc>} {
    %get3A = arith.constant 0 : index
    %get3A_0 = arith.constant 0 : index
    %get3A_1 = vector.load %arg0[%get3A, %get3A_0] : memref<512x512xi32, #tpu.memory_space<vmem>>, vector<512x512xi32>
    %swap3A = arith.constant 0 : index
    %swap3A_2 = arith.constant 0 : index
    %swap3A_3 = vector.load %arg1[%swap3A, %swap3A_2] : memref<512x512xi32, #tpu.memory_space<vmem>>, vector<512x512xi32>
    tpu.vector_store %arg1[%swap3A, %swap3A_2], %get3A_1 {strides = array<i32>} : memref<512x512xi32, #tpu.memory_space<vmem>>, vector<512x512xi32>,
    return
  }
}

</mosaic_0001>

<sc_bundles>
// kernel: kernel.4.cloned.1.call-start
scs
__scs_entry_jumppad:
0x0: {  	(pc) =	sbr.rel $0x88, $3  }
0x1: {  	(tag) =	ssettag $0x0;
	lr =	simm.s32 $0x1  }
0x2: {  	[smem:$0x3F9F] =	sst lr;
	_ =	strace $0xD0000000  }
0x3: {  	_ = 	snop  }
0x4: {  	_ = 	snop  }
0x5: {  	_ = 	snop  }
0x6: {  	_ = 	snop  }
0x7: {  	_ = 	snop  }
__scs_overlays_trampoline_lowered:
0x8: {  	[smem:$0x3FAE] =	sst s0  }
0x9: {  	[smem:$0x3FAF] =	sst s1  }
0xa: {  	[smem:$0x3FB0] =	sst s2  }
0xb: {  	[smem:$0x3FB1] =	sst s3  }
0xc: {  	[smem:$0x3FB2] =	sst s4  }
0xd: {  	[smem:$0x3FB3] =	sst s5  }
0xe: {  	[smem:$0x3FB4] =	sst s6  }
0xf: {  	[smem:$0x3FB5] =	sst s7  }
0x10: {  	[smem:$0x3FB6] =	sst s8  }
0x11: {  	[smem:$0x3FB7] =	sst s9;
	s0 =	simm.s32 @!p0 $0x0  }
0x12: {  	s1 =	sld [smem:$0x3F9D];
	s0 =	simm.s32 @p0 $0x1  }
0x13: {  	[smem:$0x3FB8] =	sst s0;
	s0 =	simm.s32 @!p1 $0x0  }
0x14: {  	s2 =	sld [smem:$0x3F9C];
	s0 =	simm.s32 @p1 $0x1  }
0x15: {  	[smem:$0x3FB9] =	sst s0;
	s0 =	simm.s32 @!p2 $0x0  }
0x16: {  	s3 =	sld [smem:$0x3FDB];
	s0 =	simm.s32 @p2 $0x1  }
0x17: {  	s4 =	simm.s32 $0x1BF5;
	[smem:$0x3FBB] =	sst s0  }
0x18: {  	s0 =	sld [smem:$0x3F9E];
	_ =	swait.ge [sflag:s4], $0x0  }
0x19: {  	s7 =	sld [smem:$0x3F9F]  }
0x1a: {  	s8 =	sadd.s32 $0xFFFFE003, lr  }
0x1b: {  	s9 =	sadd.s32 $0xFFFFFEF7, lr;
	s5 =	simm.s32 $0xFFFFFFFF;
	p2 =	slt.u32 s8, $0xFFFFF086  }
0x1c: {  	p1 =	slt.u32 s9, $0xF7A;
	s5 =	simm.s32 @!p2 $0x0  }
0x1d: {  	s5 =	simm.s32 @p1 $0x1;
	p0 =	seq.s32 s7, s2  }
0x1e: {  	s7 =	smul.u32 @!p0 $0xF7A, s2;
	p2 =	seq.s32 @!p0 s5, $0x0  }
0x1f: {  	s9 =	smul.u32 $0xF7A, s1;
	s8 =	simm.s32 @!p0 $0x1BF5;
	p2 =	por !p2, p0  }
0x20: {  	[sflag:s8] =	ssyncset.s32 @!p0 $0xFFFFF086;
	s6 =	sadd.s32 @!p0 s3, s7;
	s7 =	simm.s32 @!p0 $0x108  }
0x21: {  	s3 =	sadd.s32 s3, s9;
	s6 =	sadd.s32 @!p0 $0x88, s6;
	s7 =	simm.s32 @p2 $0x1082  }
0x22: {  	[simem:s7], [sflag:s8] =	dma.local @!p0 [hbm:s6], $0xF7A  }
0x23: {  	s9 =	sor.u32 $0xD0000000, s2;
	s6 =	simm.s32 $0x108;
	_ =	swait.ge @!p0 [sflag:s8], $0x0  }
0x24: {  	s3 =	sadd.s32 $0x88, s3;
	s6 =	simm.s32 @!p1 $0x1082;
	[sflag:s4] =	ssyncset.s32 $0xFFFFF086  }
0x25: {  	[simem:s6], [sflag:s4] =	dma.local [hbm:s3], $0xF7A  }
0x26: {  	[smem:$0x3F9F] =	sst s1;
	(tag) =	ssettag s2;
	_ =	strace s9  }
0x27: {  	s1 =	sld [smem:$0x3FAF]  }
0x28: {  	s2 =	sld [smem:$0x3FB0]  }
0x29: {  	s4 =	sld [smem:$0x3FB2]  }
0x2a: {  	p0 =	seq.s32 s5, $0x0;
	s5 =	sld [smem:$0x3FB3]  }
0x2b: {  	s6 =	sld [smem:$0x3FB4]  }
0x2c: {  	s7 =	sld [smem:$0x3FB5]  }
0x2d: {  	s3 =	simm.s32 $0x108;
	s8 =	sld [smem:$0x3FB6]  }
0x2e: {  	s3 =	simm.s32 @!p0 $0x1082;
	s9 =	sld [smem:$0x3FB7]  }
0x2f: {  	lr =	sadd.s32 s0, s3;
	s0 =	sld [smem:$0x3FAE]  }
0x30: {  	s3 =	sld [smem:$0x3FB1]  }
0x31: {  	[smem:$0x3FBA] =	sst s10  }
0x32: {  	s10 =	sld [smem:$0x3FB8];
	_ =	sdelay $0x3  }
0x33: {  	p0 =	seq.s32 s10, $0x1;
	s10 =	sld [smem:$0x3FBA];
	_ =	sdelay $0x3  }
0x34: {  	[smem:$0x3FBA] =	sst s10  }
0x35: {  	s10 =	sld [smem:$0x3FB9];
	_ =	sdelay $0x3  }
0x36: {  	p1 =	seq.s32 s10, $0x1;
	s10 =	sld [smem:$0x3FBA];
	_ =	sdelay $0x3  }
0x37: {  	[smem:$0x3FBA] =	sst s10  }
0x38: {  	s10 =	sld [smem:$0x3FBB]  }
0x39: {  	_ = 	snop;
	(pc) =	sbr.ind lr, $3  }
0x3a: {  	_ = 	snop  }
0x3b: {  	_ = 	snop  }
0x3c: {  	p2 =	seq.s32 s10, $0x1;
	s10 =	sld [smem:$0x3FBA]  }
0x3d: {  	_ =	shalt  }
0x3e: {  	_ =	shalt  }
0x3f: {  	_ =	shalt  }
0x40: {  	_ =	shalt  }
0x41: {  	_ =	shalt  }
0x42: {  	_ =	shalt  }
0x43: {  	_ =	shalt  }
0x44: {  	_ =	shalt  }
0x45: {  	_ =	shalt  }
0x46: {  	_ =	shalt  }
0x47: {  	_ =	shalt  }
0x48: {  	_ =	shalt  }
0x49: {  	_ =	shalt  }
0x4a: {  	_ =	shalt  }
0x4b: {  	_ =	shalt  }
0x4c: {  	_ =	shalt  }
0x4d: {  	_ =	shalt  }
0x4e: {  	_ =	shalt  }
0x4f: {  	_ =	shalt  }
0x50: {  	_ =	shalt  }
0x51: {  	_ =	shalt  }
0x52: {  	_ =	shalt  }
0x53: {  	_ =	shalt  }
0x54: {  	_ =	shalt  }
0x55: {  	_ =	shalt  }
0x56: {  	_ =	shalt  }
0x57: {  	_ =	shalt  }
0x58: {  	_ =	shalt  }
0x59: {  	_ =	shalt  }
0x5a: {  	_ =	shalt  }
0x5b: {  	_ =	shalt  }
0x5c: {  	_ =	shalt  }
0x5d: {  	_ =	shalt  }
0x5e: {  	_ =	shalt  }
0x5f: {  	_ =	shalt  }
0x60: {  	_ =	shalt  }
0x61: {  	_ =	shalt  }
0x62: {  	_ =	shalt  }
0x63: {  	_ =	shalt  }
0x64: {  	_ =	shalt  }
0x65: {  	_ =	shalt  }
0x66: {  	_ =	shalt  }
0x67: {  	_ =	shalt  }
0x68: {  	_ =	shalt  }
0x69: {  	_ =	shalt  }
0x6a: {  	_ =	shalt  }
0x6b: {  	_ =	shalt  }
0x6c: {  	_ =	shalt  }
0x6d: {  	_ =	shalt  }
0x6e: {  	_ =	shalt  }
0x6f: {  	_ =	shalt  }
0x70: {  	_ =	shalt  }
0x71: {  	_ =	shalt  }
0x72: {  	_ =	shalt  }
0x73: {  	_ =	shalt  }
0x74: {  	_ =	shalt  }
0x75: {  	_ =	shalt  }
0x76: {  	_ =	shalt  }
0x77: {  	_ =	shalt  }
0x78: {  	_ =	shalt  }
0x79: {  	_ =	shalt  }
0x7a: {  	_ =	shalt  }
0x7b: {  	_ =	shalt  }
0x7c: {  	_ =	shalt  }
0x7d: {  	_ =	shalt  }
0x7e: {  	_ =	shalt  }
0x7f: {  	_ =	shalt  }
0x80: {  	_ =	shalt  }
0x81: {  	_ =	shalt  }
0x82: {  	_ =	shalt  }
0x83: {  	_ =	shalt  }
0x84: {  	_ =	shalt  }
0x85: {  	_ =	shalt  }
0x86: {  	_ =	shalt  }
0x87: {  	_ =	shalt  }
.Lfunc_end0:
.L_simem_size_0:
called_computation_lowered:
.L_overlay_start_0:
0x88: {  	s0 =	sld [smem:$0x3FD9]  }
0x89: {  	s1 =	sld [smem:$0x3FFE];
	_ =	sdelay $0x3  }
0x8a: {  	s0 =	sadd.s32 s1, s0  }
0x8b: {  	[smem:$0x3FC6] =	sst s0  }
0x8c: {  	_ = 	snop  }
0x8d: {  	s0 =	sld [smem:$0x3FD0];
	_ =	sdelay $0x2  }
0x8e: {  	s13 =	simm.s32 $0xA;
	s2 =	simm.s32 $0x10  }
0x8f: {  	[smem:s2], [sflag:s13] =	dma.local [hbm:s0], $0x1  }
0x90: {  	_ =	swait.eq [sflag:s13], $0x1  }
0x91: {  	s14 =	sld [smem:$0x10]  }
0x92: {  	s15 =	sld [smem:$0x11];
	[sflag:s13] =	ssyncset.done $0x0  }
0x93: {  	s3 =	sld [smem:$0x12];
	[sflag:s13] =	ssyncadd.s32 $0xFFFFFFFF  }
0x94: {  	s16 =	sld [smem:$0x13];
	(tm) =	ssettm $0x1  }
0x95: {  	s4 =	sld [smem:$0x3FFB];
	_ =	sdelay $0x3  }
0x96: {  	_ =	strace s4  }
0x97: {  	s4 =	sld [smem:$0x3FFC];
	_ =	sdelay $0x3  }
0x98: {  	_ =	strace s4  }
0x99: {  	s4 =	sld [smem:$0x3FFD];
	_ =	sdelay $0x3  }
0x9a: {  	_ =	strace s4  }
0x9b: {  	_ =	strace $0x8FFFFFFF  }
0x9c: {  	s17 =	sld [smem:$0x3FDB];
	_ =	sdelay $0x1  }
0x9d: {  	s5 =	simm.s32 $_scs_section_size  }
0x9e: {  	s6 =	simm.s32 $_size__tile_overlayer_lowered;
	s7 =	simm.s32 $_tile_overlayer_lowered  }
0x9f: {  	s20 =	simm.s32 $0x1BFF;
	s19 =	sshll.u32 s7, $0x1;
	s4 =	sadd.s32 s5, s17  }
0xa0: {  	s8 =	simm.s32 $0x0;
	s18 =	sshll.u32 s6, $0x1;
	s6 =	sadd.s32 s19, s4  }
0xa1: {  	[timem:s8], [sflag:s20] =	dma.local [hbm:s6], s18  }
0xa2: {  	_ =	swait.ge [sflag:s20], s18  }
0xa3: {  	s5 =	ssub.s32 $0x0, s18;
	[sflag:s20] =	ssyncset.done $0x0  }
0xa4: {  	[sflag:s20] =	ssyncadd.s32 s5;
	_ =	sdelay $0x1  }
0xa5: {  	s21 =	simm.s32 $0x1B8B  }
0xa6: {  	_ =	swait.ge [sflag:s21], $0x1  }
0xa7: {  	[sflag:s21] =	ssyncset.done $0x0  }
0xa8: {  	s23 =	simm.s32 $0x1B8E;
	s22 =	sld [smem:$0x3FFE];
	[sflag:s21] =	ssyncadd.s32 $0xFFFFFFFF  }
0xa9: {  	s24 =	simm.s32 $execute0_lowered;
	[smem:$0x3FD2] =	sst s23  }
0xaa: {  	s6 =	sshll.u32 s24, $0x1;
	_ =	strace $0x80000046;
	[dreg:$0x1] =	wrdreg $0xFFFFFFFF  }
0xab: {  	s25 =	simm.s32 $_size_execute0_lowered;
	s4 =	sadd.s32 s4, s6;
	[dreg:$0x0] =	wrdreg $0x0  }
0xac: {  	s6 =	sshll.u32 s25, $0x1;
	[dreg:$0x2] =	wrdreg s4  }
0xad: {  	[dreg:$0x3] =	wrdreg s6  }
0xae: {  	[dreg:$0x4] =	wrdreg $0xC0  }
0xaf: {  	_ =	task [dreg:s8], $0x5FFFF  }
0xb0: {  	[dreg:$0x1] =	wrdreg $0xFFFFFFFF  }
0xb1: {  	[dreg:$0x0] =	wrdreg $0x60  }
0xb2: {  	[dreg:$0x2] =	wrdreg s22  }
0xb3: {  	[dreg:$0x3] =	wrdreg s16  }
0xb4: {  	[dreg:$0x4] =	wrdreg s14  }
0xb5: {  	[dreg:$0x5] =	wrdreg s15  }
0xb6: {  	[dreg:$0x6] =	wrdreg s3  }
0xb7: {  	[dreg:$0x7] =	wrdreg $0x9  }
0xb8: {  	_ =	task.clear_ibuf [dreg:s8], $0x8FFFF;
	_ =	strace $0x90000046  }
0xb9: {  	s26 =	simm.s32 $0x9;
	_ =	strace $0x80000048  }
0xba: {  	_ =	swait.ge [sflag:s26], $0x1  }
0xbb: {  	[sflag:s26] =	ssyncadd.s32 $0xFFFFFFFF  }
0xbc: {  	_ =	strace $0x90000048  }
0xbd: {  	_ =	sfence  }
0xbe: {  	s28 =	sld [smem:$0x0];
	_ =	sdelay $0x1  }
0xbf: {  	s29 =	srdreg.scid  }
0xc0: {  	s30 =	sshll.u32 s29, $0xD;
	s31 =	sshrl.u32 s29, $0x2  }
0xc1: {  	s1 =	sand.u32 $0x1, s29;
	s2 =	sand.u32 $0x4000, s30;
	s0 =	sadd.s32 s31, s28  }
0xc2: {  	s1 =	sor.u32 s2, s1;
	s0 =	sshll.u32 s0, $0x11  }
0xc3: {  	s0 =	sor.u32 s0, s1  }
0xc4: {  	s0 =	sadd.s32 $0x8F2B, s0  }
0xc5: {  	[sflag:s0] =	ssyncadd.remote.s32 $0x1  }
0xc6: {  	_ =	sfence.sel $0xFFFF  }
0xc7: {  	[dreg:$0x0] =	wrdreg $0xFFFFFFFF;
	(pc) =	sbr.abs _section_cstart, $3  }
0xc8: {  	[dreg:$0x1] =	wrdreg $0xFFFFFFFF  }
0xc9: {  	_ =	task.clear_ibuf [dreg:s8], $0x2FFFF;
	_ =	strace $0x9FFFFFFF  }
0xca: {  	(tm) =	ssettm $0x7FFFFFFF  }
0xcb: {  	_ =	shalt  }
tec
execute0_lowered:
.L_overlay_start_1:
0x0: {  	(tag) =	ssettag $0x1  }
0x1: {  	s6 =	rddreg [dreg:$0x0];
	s7 =	stileid.u32  }
0x2: {  	s5 =	rddreg [dreg:$0x1];
	p0 =	sne.s32 s7, $0x0  }
.Ltmp0:
0x3: {  	s3 =	rddreg [dreg:$0x2];
	(pc) =	sbr.rel @p0 .LBB2_2-.Ltmp0, $4  }
0x4: {  	s2 =	rddreg [dreg:$0x3]  }
0x5: {  	s1 =	rddreg [dreg:$0x4];
	s4 =	simm.s32 $0x0  }
0x6: {  	[smem:$0x7FF] =	sst s4  }
0x7: {  	s0 =	rddreg [dreg:$0x5];
	_ =	strace $0x80000047  }
0x8: {  	s6 =	sadd.s32 $0x800, s6  }
0x9: {  	[tilespmem:s4], [sflag:$0x1] =	stream.linear.gather [hbm4b:s6+s4], $0x80, $0x38;
	[tilespmem:$0x280] =	vst v63  }
0xa: {  	v0 =	vimm.s32 $0x1;
	s6 =	simm.s32 $0x1  }
0xb: {  	_ =	swait.ge [sflag:s6], $0x80  }
0xc: {  	[sflag:s6] =	ssyncset.done $0x0  }
0xd: {  	[sflag:s6] =	ssyncadd.s32 $0xFFFFFF80  }
0xe: {  	v1 =	vld.msk [tilespmem:s4+$0x0], $0xffff  }
0xf: {  	v0 =	vld.idx.msk [tilespmem:v0+s4+$0x0], $0xffff;
	_ =	sdelay $0x2  }
0x10: {  	vm0 =	vmmov $0x1  }
0x11: {  	vm14 =	vcmask $0x308;
	v1 =	vnsel vm0, $0x0, v1  }
0x12: {  	v0 =	vsel vm14, $0x0, v0;
	(xrf0) =	vadd.scan.msk.s32 $0xffff, v1  }
0x13: {  	(xrf0) =	vadd.scan.msk.s32 $0xffff, v0;
	_ =	sdelay $0x4  }
0x14: {  	v57, _, _ =	vpop (xrf0)  }
0x15: {  	(v2sf) =	vpush v57, $0xF;
	v58, _, _ =	vpop (xrf0)  }
0x16: {  	(v2sf) =	vpush v58, $0xF;
	_ =	sdelay $0xd  }
0x17: {  	s7 =	spop (v2sf)  }
0x18: {  	s8 =	spop (v2sf)  }
0x19: {  	s9 =	sand.u32 $0xF, s8  }
0x1a: {  	s10 =	sshra.s32 s8, $0x1F;
	p1 =	slt.s32 s8, $0x1;
	p2 =	sne.s32 s9, $0x0  }
0x1b: {  	s18 =	sshrl.u32 s10, $0x1C;
	p1 =	por !p1, !p2  }
0x1c: {  	s9 =	sadd.s32 s18, s8;
	p1 =	por !p1, !p1  }
0x1d: {  	s9 =	sshra.s32 s9, $0x4;
	s6 =	simm.s32 @!p1 $0x0  }
0x1e: {  	s6 =	ssub.s32 s9, s6  }
0x1f: {  	s19 =	sshll.u32 s7, $0x9;
	s20 =	sshll.u32 s6, $0x7  }
0x20: {  	s7 =	sshll.u32 s7, $0x7;
	s9 =	sand.u32 $0xFFFFF000, s19;
	s10 =	sand.u32 $0xFFFFFC00, s20  }
0x21: {  	s7 =	sand.u32 $0x380, s7;
	s6 =	sshll.u32 s6, $0x4;
	s9 =	sadd.s32 s9, s10  }
0x22: {  	s21 =	sand.u32 $0x70, s6;
	s7 =	sor.u32 s7, s9  }
0x23: {  	s7 =	sor.u32 s21, s7  }
0x24: {  	s7 =	sshrl.u32 s7, $0x3  }
0x25: {  	s22 =	simm.s32 $0x80;
	s23 =	simm.s32 $0x2;
	s5 =	sadd.s32 s5, s7  }
0x26: {  	[tilespmem:s22], [sflag:$0x2] =	stream.linear.gather [hbm4b:s5+s4], $0x10, $0x38;
	[tilespmem:$0x280] =	vst v63  }
0x27: {  	_ =	swait.ge [sflag:s23], $0x10  }
0x28: {  	[sflag:s23] =	ssyncset.done $0x0  }
0x29: {  	[sflag:s23] =	ssyncadd.s32 $0xFFFFFFF0  }
0x2a: {  	v59 =	vld [tilespmem:$0x80];
	_ =	sdelay $0x1  }
0x2b: {  	s6 =	ssub.s32 s8, s6  }
0x2c: {  	v2 =	vlaneseq.u32;
	v60 =	vmov s6  }
0x2d: {  	vm15 =	veq.s32 v60, v2  }
0x2e: {  	v0 =	vsel vm15, $0x0, v59  }
0x2f: {  	s24 =	simm.s32 $0x6;
	v61 =	vand.u32 $0x3, v2;
	[tilespmem:$0x80] =	vst v0  }
0x30: {  	[hbm4b:s5+s4] =	stream.linear.scatter [tilespmem:s22], [sflag:$0x6], $0x10, $0x38;
	[tilespmem:$0x280] =	vst v63  }
0x31: {  	_ =	swait.ge [sflag:s24], $0x10  }
0x32: {  	[sflag:s24] =	ssyncset.done $0x0  }
0x33: {  	[sflag:s24] =	ssyncadd.s32 $0xFFFFFFF0  }
0x34: {  	v0 =	vld.idx.msk [tilespmem:v61+s4+$0x0], $0xffff;
	_ =	sdelay $0x2  }
0x35: {  	v62 =	vimm.s32 $0x3;
	_ =	sdelay $0x1  }
0x36: {  	v0 =	vcvt.s32.f32 v0;
	_ =	sdelay $0x1  }
0x37: {  	[tilespmem:$0x100] =	vst v0  }
0x38: {  	v0 =	vld.idx.msk [tilespmem:v62+s4+$0x0], $0xffff;
	_ =	sdelay $0x4  }
0x39: {  	v63 =	vimm.s32 $0x0;
	v0 =	vcvt.s32.f32 v0  }
0x3a: {  	[tilespmem:$0x200] =	vst v63  }
0x3b: {  	s25 =	simm.s32 $0x100;
	[tilespmem:$0x180] =	vst v0  }
0x3c: {  	[hbm4b:s3+s4] =	stream.linear.scatter [tilespmem:s25], [sflag:$0x3], $0x3, $0x38;
	[tilespmem:$0x280] =	vst v63  }
0x3d: {  	s26 =	simm.s32 $0x180  }
0x3e: {  	[hbm4b:s2+s4] =	stream.linear.scatter [tilespmem:s26], [sflag:$0x4], $0x1, $0x38;
	[tilespmem:$0x280] =	vst v63  }
0x3f: {  	s28 =	simm.s32 $0x200;
	s29 =	simm.s32 $0x3  }
0x40: {  	[hbm4b:s1+s4] =	stream.linear.scatter [tilespmem:s28], [sflag:$0x5], $0x2, $0x38;
	[tilespmem:$0x280] =	vst v63  }
0x41: {  	_ =	swait.ge [sflag:s29], $0x3  }
0x42: {  	[sflag:s29] =	ssyncset.done $0x0  }
0x43: {  	s30 =	simm.s32 $0x4;
	[sflag:s29] =	ssyncadd.s32 $0xFFFFFFFD  }
0x44: {  	_ =	swait.ge [sflag:s30], $0x1  }
0x45: {  	[sflag:s30] =	ssyncset.done $0x0  }
0x46: {  	s31 =	simm.s32 $0x5;
	[sflag:s30] =	ssyncadd.s32 $0xFFFFFFFF  }
0x47: {  	_ =	swait.ge [sflag:s31], $0x2  }
0x48: {  	[sflag:s31] =	ssyncset.done $0x0  }
0x49: {  	[sflag:s31] =	ssyncadd.s32 $0xFFFFFFFE  }
.LBB2_2:
0x4a: {  	_ =	sfence.sel $0x180000  }
0x4b: {  	[bflag:$0x0] =	sbarrier.arrive $0xFFFF  }
0x4c: {  	_ =	strace $0x90000047  }
0x4d: {  	s0 =	sadd.s32 @!p0 $0x100000, s0;
	[bflag:$0x2] =	sbarrier.arrive $0xFFFF  }
0x4e: {  	[sflag:s0] =	ssyncadd.tile.s32 @!p0 $0x1;
	_ =	shalt  }
.Lfunc_end2:
_tile_overlayer_lowered:
.L_overlay_start_2:
0x4f: {  	(tag) =	ssettag $0x2  }
0x50: {  	s0 =	rddreg [dreg:$0x0];
	s2 =	stileid.u32  }
0x51: {  	s1 =	rddreg [dreg:$0x1];
	p0 =	sne.s32 s2, $0x0  }
0x52: {  	s3 =	rddreg [dreg:$0x2];
	[bflag:$0x3] =	sbarrier.arrive $0xFFFF;
	s2 =	simm.s32 @!p0 $0x1C06  }
0x53: {  	[timem:s3], [sflag:s2] =	dma.local @!p0 [hbm:s0], s1  }
0x54: {  	s0 =	simm.s32 @!p0 $0x6  }
0x55: {  	_ =	swait.ge @!p0 [sflag:s0], s1  }
0x56: {  	s1 =	ssub.s32 @!p0 $0x0, s1;
	[sflag:s0] =	ssyncset.done @!p0 $0x0  }
0x57: {  	[sflag:s0] =	ssyncadd.s32 @!p0 s1  }
0x58: {  	[bflag:$0x3] =	sbarrier.arrive $0xFFFF  }
0x59: {  	_ =	shalt  }

</sc_bundles>
